<compile_context>
chip_gen: v7x
topology: tpu7x:2x2x1
jax: 0.10.2.dev20260603
libtpu: 0.0.44.dev20260713+nightly
codegen_flags: <defaults>
</compile_context>

<pallas_src>
import jax
import jax.numpy as jnp
from jax import lax
from jax.experimental import pallas as pl
from jax.experimental.pallas import tpu as pltpu
from jax.experimental.pallas import tpu_sc as plsc

HD = 128
N_BIG = 100000
N_STR = 10000
BLK = 12800
RPB = BLK // HD
NB_GRID = -(-N_BIG // BLK)
STR_BLKS = -(-N_STR // BLK)
ROWS = NB_GRID * RPB
NSTRIPE = ROWS // 8
K = 32
NEG_INF = float("-inf")
BIG = 2**31 - 1


def _router_kernel(query_ref, w_ref, b_ref, sem_ref, ctx_ref, str_ref,
                   sem_vals_ref, sem_idx_ref, ctx_vals_ref, ctx_idx_ref,
                   str_out, q_scr, s_sem, s_ctx, pm_sem, pm_ctx):
    i = pl.program_id(0)

    @pl.when(i == 0)
    def _init():
        q = jax.lax.dot_general(
            w_ref[...], query_ref[...], (((1,), (0,)), ((), ())),
            preferred_element_type=jnp.float32)
        q_scr[...] = q + b_ref[...]

    q = q_scr[...]

    idx16 = (jax.lax.broadcasted_iota(jnp.int32, (RPB, HD), 0) * HD
             + jax.lax.broadcasted_iota(jnp.int32, (RPB, HD), 1))
    valid = (i * BLK + idx16) < N_BIG

    sem_sim = jax.lax.dot_general(
        sem_ref[...], q, (((1,), (0,)), ((), ())),
        preferred_element_type=jnp.float32).reshape(RPB, HD)
    s_sem[pl.ds(i * RPB, RPB), :] = jnp.where(valid, sem_sim, NEG_INF)

    ctx_sim = jax.lax.dot_general(
        ctx_ref[...], q, (((1,), (0,)), ((), ())),
        preferred_element_type=jnp.float32).reshape(RPB, HD)
    s_ctx[pl.ds(i * RPB, RPB), :] = jnp.where(valid, ctx_sim, NEG_INF)

    @pl.when(i < STR_BLKS)
    def _str():
        str_out[...] = jax.lax.dot_general(
            str_ref[...], q, (((1,), (0,)), ((), ())),
            preferred_element_type=jnp.float32).reshape(RPB, HD)

    @pl.when(i == NB_GRID - 1)
    def _extract():
        pm_sem[...] = jnp.max(s_sem[...].reshape(NSTRIPE, 8, HD), axis=1)
        pm_ctx[...] = jnp.max(s_ctx[...].reshape(NSTRIPE, 8, HD), axis=1)

        stripe_iota = jax.lax.broadcasted_iota(jnp.int32, (NSTRIPE, HD), 0)
        idx8 = (jax.lax.broadcasted_iota(jnp.int32, (8, HD), 0) * HD
                + jax.lax.broadcasted_iota(jnp.int32, (8, HD), 1))
        kidx = jax.lax.broadcasted_iota(jnp.int32, (1, K), 1)

        def extract_one(s_scr, pm_scr):
            pm = pm_scr[...]
            m = jnp.max(pm)
            smin = jnp.min(jnp.where(pm == m, stripe_iota, BIG))
            v = s_scr[pl.ds(smin * 8, 8), :]
            am = jnp.min(jnp.where(v == m, idx8, BIG))
            v2 = jnp.where(idx8 == am, NEG_INF, v)
            s_scr[pl.ds(smin * 8, 8), :] = v2
            pm_scr[pl.ds(smin, 1), :] = jnp.max(v2, axis=0, keepdims=True)
            return m, smin * (8 * HD) + am

        def body(j, carry):
            sv, si, cv, ci = carry
            ms, gs = extract_one(s_sem, pm_sem)
            mc, gc = extract_one(s_ctx, pm_ctx)
            sel = kidx == j
            return (jnp.where(sel, ms, sv), jnp.where(sel, gs, si),
                    jnp.where(sel, mc, cv), jnp.where(sel, gc, ci))

        z = jnp.zeros((1, K), jnp.float32)
        zi = jnp.zeros((1, K), jnp.int32)
        sv, si, cv, ci = jax.lax.fori_loop(0, K, body, (z, zi, z, zi))
        sem_vals_ref[...] = sv
        sem_idx_ref[...] = si
        ctx_vals_ref[...] = cv
        ctx_idx_ref[...] = ci


def _sc_gather(idx_hbm, sem_hbm, ctx_hbm, out_hbm, idx_v, rows_v, dsem):
    wid = lax.axis_index("s") * 2 + lax.axis_index("c")

    @pl.when(wid < 4)
    def _():
        base = pl.multiple_of(wid * 16, 16)
        pltpu.sync_copy(idx_hbm.at[pl.ds(base, 16)], idx_v)

        @pl.when(wid < 2)
        def _():
            pltpu.async_copy(sem_hbm.at[idx_v], rows_v, dsem).wait()

        @pl.when(wid >= 2)
        def _():
            pltpu.async_copy(ctx_hbm.at[idx_v], rows_v, dsem).wait()

        pltpu.sync_copy(rows_v, out_hbm.at[pl.ds(base, 16)])


@jax.jit
def _run(query_embedding, semantic, structural, contextual, W, b):
    q_col = query_embedding.reshape(HD, 1)
    b_col = b.reshape(HD, 1)

    sem_vals, sem_idx, ctx_vals, ctx_idx, str_sims = pl.pallas_call(
        _router_kernel,
        grid=(NB_GRID,),
        in_specs=[
            pl.BlockSpec((HD, 1), lambda i: (0, 0)),
            pl.BlockSpec((HD, HD), lambda i: (0, 0)),
            pl.BlockSpec((HD, 1), lambda i: (0, 0)),
            pl.BlockSpec((BLK, HD), lambda i: (i, 0)),
            pl.BlockSpec((BLK, HD), lambda i: (i, 0)),
            pl.BlockSpec((BLK, HD), lambda i: (jnp.minimum(i, STR_BLKS - 1), 0)),
        ],
        out_specs=[
            pl.BlockSpec((1, K), lambda i: (0, 0)),
            pl.BlockSpec((1, K), lambda i: (0, 0)),
            pl.BlockSpec((1, K), lambda i: (0, 0)),
            pl.BlockSpec((1, K), lambda i: (0, 0)),
            pl.BlockSpec((RPB, HD), lambda i: (jnp.minimum(i, STR_BLKS - 1), 0)),
        ],
        out_shape=[
            jax.ShapeDtypeStruct((1, K), jnp.float32),
            jax.ShapeDtypeStruct((1, K), jnp.int32),
            jax.ShapeDtypeStruct((1, K), jnp.float32),
            jax.ShapeDtypeStruct((1, K), jnp.int32),
            jax.ShapeDtypeStruct((STR_BLKS * RPB, HD), jnp.float32),
        ],
        scratch_shapes=[
            pltpu.VMEM((HD, 1), jnp.float32),
            pltpu.VMEM((ROWS, HD), jnp.float32),
            pltpu.VMEM((ROWS, HD), jnp.float32),
            pltpu.VMEM((NSTRIPE, HD), jnp.float32),
            pltpu.VMEM((NSTRIPE, HD), jnp.float32),
        ],
    )(q_col, W, b_col, semantic, contextual, structural)

    all_idx = jnp.concatenate([sem_idx[0], ctx_idx[0]])
    sel = pl.kernel(
        _sc_gather,
        mesh=plsc.VectorSubcoreMesh(core_axis_name="c", subcore_axis_name="s"),
        out_type=jax.ShapeDtypeStruct((2 * K, HD), jnp.float32),
        scratch_types=[
            pltpu.VMEM((16,), jnp.int32),
            pltpu.VMEM((16, HD), jnp.float32),
            pltpu.SemaphoreType.DMA,
        ],
    )(all_idx, semantic, contextual)

    all_weights = jnp.concatenate(
        [sem_vals[0], str_sims.reshape(-1)[:N_STR], ctx_vals[0]])
    return sel[:K], structural, sel[K:], all_weights


def kernel(query_embedding, semantic, structural, contextual, W, b, top_k):
    return _run(query_embedding, semantic, structural, contextual, W, b)

# --- scband reference (transcript-rebuilt; emitter-appended) ---
"""Pipeline reference for scband-concept-router-66219805770151 (READ-ONLY COPY).

The authoritative reference and input builder live on the scoring server;
editing this copy changes nothing except your own understanding.
"""

import jax, jax.numpy as jnp
import numpy as np

HIDDEN_DIM = 128
N_SEM = 100000
N_STR = 10000
N_CTX = 100000
TOP_K = 32


def setup_inputs(seed: int = 0) -> dict:
    key = jax.random.key(seed)
    k1, k2, k3, k4, k5, k6 = jax.random.split(key, 6)
    query_embedding = jax.random.normal(k1, (1, HIDDEN_DIM), dtype=jnp.float32)
    semantic = jax.random.normal(k2, (N_SEM, HIDDEN_DIM), dtype=jnp.float32)
    structural = jax.random.normal(k3, (N_STR, HIDDEN_DIM), dtype=jnp.float32)
    contextual = jax.random.normal(k4, (N_CTX, HIDDEN_DIM), dtype=jnp.float32)
    # Linear layer params (query_proj): PyTorch nn.Linear default init
    bound = 1.0 / np.sqrt(HIDDEN_DIM)
    W = jax.random.uniform(k5, (HIDDEN_DIM, HIDDEN_DIM), dtype=jnp.float32, minval=-bound, maxval=bound)
    b = jax.random.uniform(k6, (HIDDEN_DIM,), dtype=jnp.float32, minval=-bound, maxval=bound)
    return {
        "query_embedding": query_embedding,
        "semantic": semantic,
        "structural": structural,
        "contextual": contextual,
        "W": W,
        "b": b,
        "top_k": TOP_K,
    }


def reference(query_embedding, semantic, structural, contextual, W, b, top_k):
    # q_emb = self.query_proj(query_embedding)
    q_emb = query_embedding @ W.T + b  # (1, hidden_dim)

    def select_top_k(concept_tensor, k):
        sim = jnp.squeeze(q_emb @ concept_tensor.T, axis=0)  # (N,)
        sim = sim + jnp.zeros_like(sim) * k
        k_static = min(TOP_K, concept_tensor.shape[0])
        topk_vals, topk_inds = jax.lax.top_k(sim, k_static)
        selected = jnp.take(concept_tensor, topk_inds, axis=0)
        return selected, topk_vals

    def select_all_with_weights(concept_tensor):
        sim = jnp.squeeze(q_emb @ concept_tensor.T, axis=0)
        return concept_tensor, sim

    sem_sel, sem_w = select_top_k(semantic, top_k)
    ctx_sel, ctx_w = select_top_k(contextual, top_k)
    # header_first=True path: include ALL structural concepts with weights
    str_sel, str_w = select_all_with_weights(structural)
    all_weights = jnp.concatenate([sem_w, str_w, ctx_w])
    return sem_sel, str_sel, ctx_sel, all_weights

if __name__ == "__main__":
    import jax
    _d = setup_inputs()
    print(jax.jit(kernel)(*tuple(_d.values())))

</pallas_src>

<mosaic_0001>
#map = affine_map<(d0, d1) -> (0)>
#map1 = affine_map<(d0, d1) -> (0, 0)>
module attributes {stable_mosaic.version = 14 : i64} {
  func.func @_sc_gather(%arg0: i32, %arg1: i32, %arg2: memref<64xi32, #tpu.memory_space<hbm>>, %arg3: memref<100000x128xf32, #tpu.memory_space<hbm>>, %arg4: memref<100000x128xf32, #tpu.memory_space<hbm>>, %arg5: memref<64x128xf32, #tpu.memory_space<hbm>>, %arg6: memref<16xi32, #tpu.memory_space<vmem>>, %arg7: memref<16x128xf32, #tpu.memory_space<vmem>>, %arg8: memref<!tpu.dma_semaphore, #tpu.memory_space<semaphore_mem>>) attributes {dimension_semantics = [#tpu.dimension_semantics<core_parallel>, #tpu.dimension_semantics<subcore_parallel>], iteration_bounds = array<i64: 2, 16>, scalar_prefetch = 0 : i64, scratch_operands = 3 : i64, tpu.core_type = #tpu.core_type<sc_vector_subcore>, window_params = [{transform_indices = #map}, {transform_indices = #map1}, {transform_indices = #map1}, {transform_indices = #map1}]} {
    %mul3A = arith.constant 2 : i32
    %mul3A_0 = arith.muli %arg1, %mul3A : i32
    %add3A = arith.addi %mul3A_0, %arg0 : i32
    %lt3A = arith.constant 4 : i32
    %lt3A_1 = arith.cmpi slt, %add3A, %lt3A : i32
    %convert_element_type3A = arith.extui %lt3A_1 : i1 to i32
    %cond3A = arith.constant 0 : i32
    %cond3A_2 = arith.cmpi ne, %convert_element_type3A, %cond3A : i32
    scf.if %cond3A_2 {
      %mul3A_3 = arith.constant 16 : i32
      %mul3A_4 = arith.muli %add3A, %mul3A_3 : i32
      %multiple_of3A = tpu.assume_multiple %mul3A_4, 16 : i32
      "tpu.region"() ({
        %run_scoped3A = tpu.sem_alloc : memref<!tpu.dma_semaphore, #tpu.memory_space<semaphore_mem>>
        %dma_start3A = tpu.memref_slice %arg2[%multiple_of3A] : memref<64xi32, #tpu.memory_space<hbm>> -> memref<16xi32, #tpu.memory_space<hbm>>
        %dma_start3A_14 = tpu.memref_slice %arg2[%multiple_of3A] : memref<64xi32, #tpu.memory_space<hbm>> -> memref<16xi32, #tpu.memory_space<hbm>>
        tpu.enqueue_dma source(%dma_start3A_14 : memref<16xi32, #tpu.memory_space<hbm>>) target(%arg6 : memref<16xi32, #tpu.memory_space<vmem>>) target_semaphore(%run_scoped3A : memref<!tpu.dma_semaphore, #tpu.memory_space<semaphore_mem>>)
        %dma_wait3A = tpu.memref_slice %arg2[%multiple_of3A] : memref<64xi32, #tpu.memory_space<hbm>> -> memref<16xi32, #tpu.memory_space<hbm>>
        %dma_wait3A_15 = tpu.memref_slice %arg2[%multiple_of3A] : memref<64xi32, #tpu.memory_space<hbm>> -> memref<16xi32, #tpu.memory_space<hbm>>
        tpu.wait_dma2 semaphore(%run_scoped3A : memref<!tpu.dma_semaphore, #tpu.memory_space<semaphore_mem>>) src(%dma_wait3A_15 : memref<16xi32, #tpu.memory_space<hbm>>) dst(%arg6 : memref<16xi32, #tpu.memory_space<vmem>>)
        tpu.yield
      }) : () -> ()
      %lt3A_5 = arith.constant 2 : i32
      %lt3A_6 = arith.cmpi slt, %add3A, %lt3A_5 : i32
      %convert_element_type3A_7 = arith.extui %lt3A_6 : i1 to i32
      %cond3A_8 = arith.constant 0 : i32
      %cond3A_9 = arith.cmpi ne, %convert_element_type3A_7, %cond3A_8 : i32
      scf.if %cond3A_9 {
        %dma_start3A = arith.constant 0 : i32
        %dma_start3A_14 = arith.constant 0 : i32
        %dma_start3A_15 = tpu.memref_slice %arg3[%dma_start3A, %dma_start3A_14] : memref<100000x128xf32, #tpu.memory_space<hbm>> -> memref<100000x128xf32, #tpu.memory_space<hbm>>
        tpu.enqueue_indirect_dma source(%dma_start3A_15 : memref<100000x128xf32, #tpu.memory_space<hbm>>) target(%arg7 : memref<16x128xf32, #tpu.memory_space<vmem>>) offsets(%arg6 : memref<16xi32, #tpu.memory_space<vmem>>) semaphore(%arg8 : memref<!tpu.dma_semaphore, #tpu.memory_space<semaphore_mem>>)
        %dma_wait3A = arith.constant 0 : i32
        %dma_wait3A_16 = arith.constant 0 : i32
        %dma_wait3A_17 = tpu.memref_slice %arg3[%dma_wait3A, %dma_wait3A_16] : memref<100000x128xf32, #tpu.memory_space<hbm>> -> memref<100000x128xf32, #tpu.memory_space<hbm>>
        tpu.wait_indirect_dma semaphore(%arg8 : memref<!tpu.dma_semaphore, #tpu.memory_space<semaphore_mem>>) src(%dma_wait3A_17 : memref<100000x128xf32, #tpu.memory_space<hbm>>) dst(%arg7 : memref<16x128xf32, #tpu.memory_space<vmem>>)
      } else {
      }
      %ge3A = arith.constant 2 : i32
      %ge3A_10 = arith.cmpi sge, %add3A, %ge3A : i32
      %convert_element_type3A_11 = arith.extui %ge3A_10 : i1 to i32
      %cond3A_12 = arith.constant 0 : i32
      %cond3A_13 = arith.cmpi ne, %convert_element_type3A_11, %cond3A_12 : i32
      scf.if %cond3A_13 {
        %dma_start3A = arith.constant 0 : i32
        %dma_start3A_14 = arith.constant 0 : i32
        %dma_start3A_15 = tpu.memref_slice %arg4[%dma_start3A, %dma_start3A_14] : memref<100000x128xf32, #tpu.memory_space<hbm>> -> memref<100000x128xf32, #tpu.memory_space<hbm>>
        tpu.enqueue_indirect_dma source(%dma_start3A_15 : memref<100000x128xf32, #tpu.memory_space<hbm>>) target(%arg7 : memref<16x128xf32, #tpu.memory_space<vmem>>) offsets(%arg6 : memref<16xi32, #tpu.memory_space<vmem>>) semaphore(%arg8 : memref<!tpu.dma_semaphore, #tpu.memory_space<semaphore_mem>>)
        %dma_wait3A = arith.constant 0 : i32
        %dma_wait3A_16 = arith.constant 0 : i32
        %dma_wait3A_17 = tpu.memref_slice %arg4[%dma_wait3A, %dma_wait3A_16] : memref<100000x128xf32, #tpu.memory_space<hbm>> -> memref<100000x128xf32, #tpu.memory_space<hbm>>
        tpu.wait_indirect_dma semaphore(%arg8 : memref<!tpu.dma_semaphore, #tpu.memory_space<semaphore_mem>>) src(%dma_wait3A_17 : memref<100000x128xf32, #tpu.memory_space<hbm>>) dst(%arg7 : memref<16x128xf32, #tpu.memory_space<vmem>>)
      } else {
      }
      "tpu.region"() ({
        %run_scoped3A = tpu.sem_alloc : memref<!tpu.dma_semaphore, #tpu.memory_space<semaphore_mem>>
        %dma_start3A = arith.constant 0 : i32
        %dma_start3A_14 = tpu.memref_slice %arg5[%multiple_of3A, %dma_start3A] : memref<64x128xf32, #tpu.memory_space<hbm>> -> memref<16x128xf32, #tpu.memory_space<hbm>>
        %dma_start3A_15 = arith.constant 0 : i32
        %dma_start3A_16 = tpu.memref_slice %arg5[%multiple_of3A, %dma_start3A_15] : memref<64x128xf32, #tpu.memory_space<hbm>> -> memref<16x128xf32, #tpu.memory_space<hbm>>
        tpu.enqueue_dma source(%arg7 : memref<16x128xf32, #tpu.memory_space<vmem>>) target(%dma_start3A_16 : memref<16x128xf32, #tpu.memory_space<hbm>>) target_semaphore(%run_scoped3A : memref<!tpu.dma_semaphore, #tpu.memory_space<semaphore_mem>>)
        %dma_wait3A = arith.constant 0 : i32
        %dma_wait3A_17 = tpu.memref_slice %arg5[%multiple_of3A, %dma_wait3A] : memref<64x128xf32, #tpu.memory_space<hbm>> -> memref<16x128xf32, #tpu.memory_space<hbm>>
        %dma_wait3A_18 = arith.constant 0 : i32
        %dma_wait3A_19 = tpu.memref_slice %arg5[%multiple_of3A, %dma_wait3A_18] : memref<64x128xf32, #tpu.memory_space<hbm>> -> memref<16x128xf32, #tpu.memory_space<hbm>>
        tpu.wait_dma2 semaphore(%run_scoped3A : memref<!tpu.dma_semaphore, #tpu.memory_space<semaphore_mem>>) src(%arg7 : memref<16x128xf32, #tpu.memory_space<vmem>>) dst(%dma_wait3A_19 : memref<16x128xf32, #tpu.memory_space<hbm>>)
        tpu.yield
      }) : () -> ()
    } else {
    }
    return
  }
}

module attributes {stable_mosaic.version = 14 : i64} {
  func.func @_router_kernel(%arg0: i32, %arg1: memref<128x1xf32, #tpu.memory_space<vmem>>, %arg2: memref<128x128xf32, #tpu.memory_space<vmem>>, %arg3: memref<128x1xf32, #tpu.memory_space<vmem>>, %arg4: memref<12800x128xf32, #tpu.memory_space<vmem>>, %arg5: memref<12800x128xf32, #tpu.memory_space<vmem>>, %arg6: memref<12800x128xf32, #tpu.memory_space<vmem>>, %arg7: memref<1x32xf32, #tpu.memory_space<vmem>>, %arg8: memref<1x32xi32, #tpu.memory_space<vmem>>, %arg9: memref<1x32xf32, #tpu.memory_space<vmem>>, %arg10: memref<1x32xi32, #tpu.memory_space<vmem>>, %arg11: memref<100x128xf32, #tpu.memory_space<vmem>>, %arg12: memref<128x1xf32, #tpu.memory_space<vmem>>, %arg13: memref<800x128xf32, #tpu.memory_space<vmem>>, %arg14: memref<800x128xf32, #tpu.memory_space<vmem>>, %arg15: memref<100x128xf32, #tpu.memory_space<vmem>>, %arg16: memref<100x128xf32, #tpu.memory_space<vmem>>) attributes {dimension_semantics = [#tpu.dimension_semantics<arbitrary>], iteration_bounds = array<i64: 8>, scalar_prefetch = 0 : i64, scratch_operands = 5 : i64, tpu.core_type = #tpu.core_type<tc>, window_params = [{pipeline_mode = #tpu.pipeline_mode<synchronous>, transform_indices = @transform_0, window_bounds = array<i64: 128, 1>}, {pipeline_mode = #tpu.pipeline_mode<synchronous>, transform_indices = @transform_1, window_bounds = array<i64: 128, 128>}, {pipeline_mode = #tpu.pipeline_mode<synchronous>, transform_indices = @transform_2, window_bounds = array<i64: 128, 1>}, {transform_indices = @transform_3, window_bounds = array<i64: 12800, 128>}, {transform_indices = @transform_4, window_bounds = array<i64: 12800, 128>}, {transform_indices = @transform_5, window_bounds = array<i64: 12800, 128>}, {pipeline_mode = #tpu.pipeline_mode<synchronous>, transform_indices = @transform_6, window_bounds = array<i64: 1, 32>}, {pipeline_mode = #tpu.pipeline_mode<synchronous>, transform_indices = @transform_7, window_bounds = array<i64: 1, 32>}, {pipeline_mode = #tpu.pipeline_mode<synchronous>, transform_indices = @transform_8, window_bounds = array<i64: 1, 32>}, {pipeline_mode = #tpu.pipeline_mode<synchronous>, transform_indices = @transform_9, window_bounds = array<i64: 1, 32>}, {transform_indices = @transform_10, window_bounds = array<i64: 100, 128>}]} {
    %eq3A = arith.constant 0 : i32
    %eq3A_0 = arith.cmpi eq, %arg0, %eq3A : i32
    %convert_element_type3A = arith.extui %eq3A_0 : i1 to i32
    %cond3A = arith.constant 0 : i32
    %cond3A_1 = arith.cmpi ne, %convert_element_type3A, %cond3A : i32
    scf.if %cond3A_1 {
      %get3A_45 = arith.constant 0 : index
      %get3A_46 = arith.constant 0 : index
      %get3A_47 = vector.load %arg2[%get3A_45, %get3A_46] : memref<128x128xf32, #tpu.memory_space<vmem>>, vector<128x128xf32>
      %get3A_48 = arith.constant 0 : index
      %get3A_49 = arith.constant 0 : index
      %get3A_50 = vector.load %arg1[%get3A_48, %get3A_49] : memref<128x1xf32, #tpu.memory_space<vmem>>, vector<128x1xf32>
      %dot_general3A_51 = arith.constant dense<0.000000e+00> : vector<128x1xf32>
      %dot_general3A_52 = tpu.matmul %get3A_47, %get3A_50, %dot_general3A_51 {dimension_numbers = #tpu.dot_dimension_numbers<[1], [0], [0], [1], [0, 0, 1, 1], [], []>, transpose_lhs_hint = false} : vector<128x128xf32>, vector<128x1xf32>, vector<128x1xf32> -> vector<128x1xf32>
      %get3A_53 = arith.constant 0 : index
      %get3A_54 = arith.constant 0 : index
      %get3A_55 = vector.load %arg3[%get3A_53, %get3A_54] : memref<128x1xf32, #tpu.memory_space<vmem>>, vector<128x1xf32>
      %add3A_56 = arith.addf %dot_general3A_52, %get3A_55 : vector<128x1xf32>
      %swap3A_57 = arith.constant 0 : index
      %swap3A_58 = arith.constant 0 : index
      %swap3A_59 = vector.load %arg12[%swap3A_57, %swap3A_58] : memref<128x1xf32, #tpu.memory_space<vmem>>, vector<128x1xf32>
      tpu.vector_store %arg12[%swap3A_57, %swap3A_58], %add3A_56 {strides = array<i32>} : memref<128x1xf32, #tpu.memory_space<vmem>>, vector<128x1xf32>,
    } else {
    }
    %get3A = arith.constant 0 : index
    %get3A_2 = arith.constant 0 : index
    %get3A_3 = vector.load %arg12[%get3A, %get3A_2] : memref<128x1xf32, #tpu.memory_space<vmem>>, vector<128x1xf32>
    %iota3A = tpu.iota {dimensions = array<i32: 0>} : vector<100x128xi32>
    %mul3A = arith.constant 128 : i32
    %mul3A_4 = vector.broadcast %mul3A : i32 to vector<100x128xi32>
    %mul3A_5 = arith.muli %iota3A, %mul3A_4 : vector<100x128xi32>
    %iota3A_6 = tpu.iota {dimensions = array<i32: 1>} : vector<100x128xi32>
    %add3A = arith.addi %mul3A_5, %iota3A_6 : vector<100x128xi32>
    %mul3A_7 = arith.constant 12800 : i32
    %mul3A_8 = arith.muli %arg0, %mul3A_7 : i32
    %add3A_9 = vector.broadcast %mul3A_8 : i32 to vector<100x128xi32>
    %add3A_10 = arith.addi %add3A_9, %add3A : vector<100x128xi32>
    %lt3A = arith.constant 100000 : i32
    %lt3A_11 = vector.broadcast %lt3A : i32 to vector<100x128xi32>
    %lt3A_12 = arith.cmpi slt, %add3A_10, %lt3A_11 : vector<100x128xi32>
    %get3A_13 = arith.constant 0 : index
    %get3A_14 = arith.constant 0 : index
    %get3A_15 = vector.load %arg4[%get3A_13, %get3A_14] : memref<12800x128xf32, #tpu.memory_space<vmem>>, vector<12800x128xf32>
    %dot_general3A = arith.constant dense<0.000000e+00> : vector<12800x1xf32>
    %dot_general3A_16 = tpu.matmul %get3A_15, %get3A_3, %dot_general3A {dimension_numbers = #tpu.dot_dimension_numbers<[1], [0], [0], [1], [0, 0, 1, 1], [], []>, transpose_lhs_hint = false} : vector<12800x128xf32>, vector<128x1xf32>, vector<12800x1xf32> -> vector<12800x1xf32>
    %reshape3A = vector.shape_cast %dot_general3A_16 : vector<12800x1xf32> to vector<100x128xf32>
    %jit3A = arith.constant 0xFF800000 : f32
    %broadcast_in_dim3A = vector.broadcast %jit3A : f32 to vector<100x128xf32>
    %select_n3A = arith.select %lt3A_12, %reshape3A, %broadcast_in_dim3A : vector<100x128xi1>, vector<100x128xf32>
    %mul3A_17 = arith.constant 100 : i32
    %mul3A_18 = arith.muli %arg0, %mul3A_17 : i32
    %swap3A = arith.index_cast %mul3A_18 : i32 to index
    %swap3A_19 = arith.constant 0 : index
    %swap3A_20 = vector.load %arg13[%swap3A, %swap3A_19] : memref<800x128xf32, #tpu.memory_space<vmem>>, vector<100x128xf32>
    tpu.vector_store %arg13[%swap3A, %swap3A_19], %select_n3A {strides = array<i32>} : memref<800x128xf32, #tpu.memory_space<vmem>>, vector<100x128xf32>,
    %get3A_21 = arith.constant 0 : index
    %get3A_22 = arith.constant 0 : index
    %get3A_23 = vector.load %arg5[%get3A_21, %get3A_22] : memref<12800x128xf32, #tpu.memory_space<vmem>>, vector<12800x128xf32>
    %dot_general3A_24 = arith.constant dense<0.000000e+00> : vector<12800x1xf32>
    %dot_general3A_25 = tpu.matmul %get3A_23, %get3A_3, %dot_general3A_24 {dimension_numbers = #tpu.dot_dimension_numbers<[1], [0], [0], [1], [0, 0, 1, 1], [], []>, transpose_lhs_hint = false} : vector<12800x128xf32>, vector<128x1xf32>, vector<12800x1xf32> -> vector<12800x1xf32>
    %reshape3A_26 = vector.shape_cast %dot_general3A_25 : vector<12800x1xf32> to vector<100x128xf32>
    %jit3A_27 = arith.constant 0xFF800000 : f32
    %broadcast_in_dim3A_28 = vector.broadcast %jit3A_27 : f32 to vector<100x128xf32>
    %select_n3A_29 = arith.select %lt3A_12, %reshape3A_26, %broadcast_in_dim3A_28 : vector<100x128xi1>, vector<100x128xf32>
    %mul3A_30 = arith.constant 100 : i32
    %mul3A_31 = arith.muli %arg0, %mul3A_30 : i32
    %swap3A_32 = arith.index_cast %mul3A_31 : i32 to index
    %swap3A_33 = arith.constant 0 : index
    %swap3A_34 = vector.load %arg14[%swap3A_32, %swap3A_33] : memref<800x128xf32, #tpu.memory_space<vmem>>, vector<100x128xf32>
    tpu.vector_store %arg14[%swap3A_32, %swap3A_33], %select_n3A_29 {strides = array<i32>} : memref<800x128xf32, #tpu.memory_space<vmem>>, vector<100x128xf32>,
    %lt3A_35 = arith.constant 1 : i32
    %lt3A_36 = arith.cmpi slt, %arg0, %lt3A_35 : i32
    %convert_element_type3A_37 = arith.extui %lt3A_36 : i1 to i32
    %cond3A_38 = arith.constant 0 : i32
    %cond3A_39 = arith.cmpi ne, %convert_element_type3A_37, %cond3A_38 : i32
    scf.if %cond3A_39 {
      %get3A_45 = arith.constant 0 : index
      %get3A_46 = arith.constant 0 : index
      %get3A_47 = vector.load %arg6[%get3A_45, %get3A_46] : memref<12800x128xf32, #tpu.memory_space<vmem>>, vector<12800x128xf32>
      %dot_general3A_48 = arith.constant dense<0.000000e+00> : vector<12800x1xf32>
      %dot_general3A_49 = tpu.matmul %get3A_47, %get3A_3, %dot_general3A_48 {dimension_numbers = #tpu.dot_dimension_numbers<[1], [0], [0], [1], [0, 0, 1, 1], [], []>, transpose_lhs_hint = false} : vector<12800x128xf32>, vector<128x1xf32>, vector<12800x1xf32> -> vector<12800x1xf32>
      %reshape3A_50 = vector.shape_cast %dot_general3A_49 : vector<12800x1xf32> to vector<100x128xf32>
      %swap3A_51 = arith.constant 0 : index
      %swap3A_52 = arith.constant 0 : index
      %swap3A_53 = vector.load %arg11[%swap3A_51, %swap3A_52] : memref<100x128xf32, #tpu.memory_space<vmem>>, vector<100x128xf32>
      tpu.vector_store %arg11[%swap3A_51, %swap3A_52], %reshape3A_50 {strides = array<i32>} : memref<100x128xf32, #tpu.memory_space<vmem>>, vector<100x128xf32>,
    } else {
    }
    %eq3A_40 = arith.constant 7 : i32
    %eq3A_41 = arith.cmpi eq, %arg0, %eq3A_40 : i32
    %convert_element_type3A_42 = arith.extui %eq3A_41 : i1 to i32
    %cond3A_43 = arith.constant 0 : i32
    %cond3A_44 = arith.cmpi ne, %convert_element_type3A_42, %cond3A_43 : i32
    scf.if %cond3A_44 {
      %get3A_45 = arith.constant 0 : index
      %get3A_46 = arith.constant 0 : index
      %get3A_47 = vector.load %arg13[%get3A_45, %get3A_46] : memref<800x128xf32, #tpu.memory_space<vmem>>, vector<800x128xf32>
      %reshape3A_48 = vector.shape_cast %get3A_47 : vector<800x128xf32> to vector<100x8x128xf32>
      %reduce_max3A = arith.constant dense<0xFF800000> : vector<100x128xf32>
      %reduce_max3A_49 = vector.multi_reduction <maximumf>, %reshape3A_48, %reduce_max3A [1] : vector<100x8x128xf32> to vector<100x128xf32>
      %swap3A_50 = arith.constant 0 : index
      %swap3A_51 = arith.constant 0 : index
      %swap3A_52 = vector.load %arg15[%swap3A_50, %swap3A_51] : memref<100x128xf32, #tpu.memory_space<vmem>>, vector<100x128xf32>
      tpu.vector_store %arg15[%swap3A_50, %swap3A_51], %reduce_max3A_49 {strides = array<i32>} : memref<100x128xf32, #tpu.memory_space<vmem>>, vector<100x128xf32>,
      %get3A_53 = arith.constant 0 : index
      %get3A_54 = arith.constant 0 : index
      %get3A_55 = vector.load %arg14[%get3A_53, %get3A_54] : memref<800x128xf32, #tpu.memory_space<vmem>>, vector<800x128xf32>
      %reshape3A_56 = vector.shape_cast %get3A_55 : vector<800x128xf32> to vector<100x8x128xf32>
      %reduce_max3A_57 = arith.constant dense<0xFF800000> : vector<100x128xf32>
      %reduce_max3A_58 = vector.multi_reduction <maximumf>, %reshape3A_56, %reduce_max3A_57 [1] : vector<100x8x128xf32> to vector<100x128xf32>
      %swap3A_59 = arith.constant 0 : index
      %swap3A_60 = arith.constant 0 : index
      %swap3A_61 = vector.load %arg16[%swap3A_59, %swap3A_60] : memref<100x128xf32, #tpu.memory_space<vmem>>, vector<100x128xf32>
      tpu.vector_store %arg16[%swap3A_59, %swap3A_60], %reduce_max3A_58 {strides = array<i32>} : memref<100x128xf32, #tpu.memory_space<vmem>>, vector<100x128xf32>,
      %iota3A_62 = tpu.iota {dimensions = array<i32: 0>} : vector<100x128xi32>
      %iota3A_63 = tpu.iota {dimensions = array<i32: 0>} : vector<8x128xi32>
      %mul3A_64 = arith.constant 128 : i32
      %mul3A_65 = vector.broadcast %mul3A_64 : i32 to vector<8x128xi32>
      %mul3A_66 = arith.muli %iota3A_63, %mul3A_65 : vector<8x128xi32>
      %iota3A_67 = tpu.iota {dimensions = array<i32: 1>} : vector<8x128xi32>
      %add3A_68 = arith.addi %mul3A_66, %iota3A_67 : vector<8x128xi32>
      %iota3A_69 = tpu.iota {dimensions = array<i32: 1>} : vector<1x32xi32>
      %broadcast_in_dim3A_70 = arith.constant 0.000000e+00 : f32
      %broadcast_in_dim3A_71 = vector.broadcast %broadcast_in_dim3A_70 : f32 to vector<1x32xf32>
      %broadcast_in_dim3A_72 = arith.constant 0 : i32
      %broadcast_in_dim3A_73 = vector.broadcast %broadcast_in_dim3A_72 : i32 to vector<1x32xi32>
      %scan3A = arith.constant 0 : i32
      %scan3A_74 = arith.constant 32 : i32
      %scan3A_75 = arith.addi %scan3A, %scan3A_74 : i32
      %scan3A_76 = arith.constant 1 : i32
      %scan3A_77:4 = scf.for %scan3A_91 = %scan3A to %scan3A_75 step %scan3A_76 iter_args(%scan3A_92 = %broadcast_in_dim3A_71, %scan3A_93 = %broadcast_in_dim3A_73, %scan3A_94 = %broadcast_in_dim3A_71, %scan3A_95 = %broadcast_in_dim3A_73) -> (vector<1x32xf32>, vector<1x32xi32>, vector<1x32xf32>, vector<1x32xi32>)  : i32 {
        %get3A_96 = arith.constant 0 : index
        %get3A_97 = arith.constant 0 : index
        %get3A_98 = vector.load %arg15[%get3A_96, %get3A_97] : memref<100x128xf32, #tpu.memory_space<vmem>>, vector<100x128xf32>
        %reduce_max3A_99 = vector.shape_cast %get3A_98 : vector<100x128xf32> to vector<1x100x128xf32>
        %reduce_max3A_100 = arith.constant dense<0xFF800000> : vector<1xf32>
        %reduce_max3A_101 = vector.multi_reduction <maximumf>, %reduce_max3A_99, %reduce_max3A_100 [1, 2] : vector<1x100x128xf32> to vector<1xf32>
        %reduce_max3A_102 = vector.shape_cast %reduce_max3A_101 : vector<1xf32> to vector<1x1x1xf32>
        %reduce_max3A_103 = vector.extract %reduce_max3A_102[0, 0, 0] : f32 from vector<1x1x1xf32>
        %eq3A_104 = vector.broadcast %reduce_max3A_103 : f32 to vector<100x128xf32>
        %eq3A_105 = arith.cmpf oeq, %get3A_98, %eq3A_104 : vector<100x128xf32>
        %jit3A_106 = arith.constant 2147483647 : i32
        %broadcast_in_dim3A_107 = vector.broadcast %jit3A_106 : i32 to vector<100x128xi32>
        %select_n3A_108 = arith.select %eq3A_105, %iota3A_62, %broadcast_in_dim3A_107 : vector<100x128xi1>, vector<100x128xi32>
        %reduce_min3A = vector.shape_cast %select_n3A_108 : vector<100x128xi32> to vector<1x100x128xi32>
        %reduce_min3A_109 = arith.constant dense<2147483647> : vector<1xi32>
        %reduce_min3A_110 = vector.multi_reduction <minsi>, %reduce_min3A, %reduce_min3A_109 [1, 2] : vector<1x100x128xi32> to vector<1xi32>
        %reduce_min3A_111 = vector.shape_cast %reduce_min3A_110 : vector<1xi32> to vector<1x1x1xi32>
        %reduce_min3A_112 = vector.extract %reduce_min3A_111[0, 0, 0] : i32 from vector<1x1x1xi32>
        %mul3A_113 = arith.constant 8 : i32
        %mul3A_114 = arith.muli %reduce_min3A_112, %mul3A_113 : i32
        %get3A_115 = arith.index_cast %mul3A_114 : i32 to index
        %get3A_116 = arith.constant 0 : index
        %get3A_117 = vector.load %arg13[%get3A_115, %get3A_116] : memref<800x128xf32, #tpu.memory_space<vmem>>, vector<8x128xf32>
        %eq3A_118 = vector.broadcast %reduce_max3A_103 : f32 to vector<8x128xf32>
        %eq3A_119 = arith.cmpf oeq, %get3A_117, %eq3A_118 : vector<8x128xf32>
        %jit3A_120 = arith.constant 2147483647 : i32
        %broadcast_in_dim3A_121 = vector.broadcast %jit3A_120 : i32 to vector<8x128xi32>
        %select_n3A_122 = arith.select %eq3A_119, %add3A_68, %broadcast_in_dim3A_121 : vector<8x128xi1>, vector<8x128xi32>
        %reduce_min3A_123 = vector.shape_cast %select_n3A_122 : vector<8x128xi32> to vector<1x8x128xi32>
        %reduce_min3A_124 = arith.constant dense<2147483647> : vector<1xi32>
        %reduce_min3A_125 = vector.multi_reduction <minsi>, %reduce_min3A_123, %reduce_min3A_124 [1, 2] : vector<1x8x128xi32> to vector<1xi32>
        %reduce_min3A_126 = vector.shape_cast %reduce_min3A_125 : vector<1xi32> to vector<1x1x1xi32>
        %reduce_min3A_127 = vector.extract %reduce_min3A_126[0, 0, 0] : i32 from vector<1x1x1xi32>
        %eq3A_128 = vector.broadcast %reduce_min3A_127 : i32 to vector<8x128xi32>
        %eq3A_129 = arith.cmpi eq, %add3A_68, %eq3A_128 : vector<8x128xi32>
        %jit3A_130 = arith.constant 0xFF800000 : f32
        %broadcast_in_dim3A_131 = vector.broadcast %jit3A_130 : f32 to vector<8x128xf32>
        %select_n3A_132 = arith.select %eq3A_129, %broadcast_in_dim3A_131, %get3A_117 : vector<8x128xi1>, vector<8x128xf32>
        %mul3A_133 = arith.constant 8 : i32
        %mul3A_134 = arith.muli %reduce_min3A_112, %mul3A_133 : i32
        %swap3A_135 = arith.index_cast %mul3A_134 : i32 to index
        %swap3A_136 = arith.constant 0 : index
        %swap3A_137 = vector.load %arg13[%swap3A_135, %swap3A_136] : memref<800x128xf32, #tpu.memory_space<vmem>>, vector<8x128xf32>
        tpu.vector_store %arg13[%swap3A_135, %swap3A_136], %select_n3A_132 {strides = array<i32>} : memref<800x128xf32, #tpu.memory_space<vmem>>, vector<8x128xf32>,
        %reduce_max3A_138 = arith.constant dense<0xFF800000> : vector<128xf32>
        %reduce_max3A_139 = vector.multi_reduction <maximumf>, %select_n3A_132, %reduce_max3A_138 [0] : vector<8x128xf32> to vector<128xf32>
        %broadcast_in_dim3A_140 = vector.shape_cast %reduce_max3A_139 : vector<128xf32> to vector<1x128xf32>
        %swap3A_141 = arith.index_cast %reduce_min3A_112 : i32 to index
        %swap3A_142 = arith.constant 0 : index
        %swap3A_143 = vector.load %arg15[%swap3A_141, %swap3A_142] : memref<100x128xf32, #tpu.memory_space<vmem>>, vector<1x128xf32>
        tpu.vector_store %arg15[%swap3A_141, %swap3A_142], %broadcast_in_dim3A_140 {strides = array<i32>} : memref<100x128xf32, #tpu.memory_space<vmem>>, vector<1x128xf32>,
        %mul3A_144 = arith.constant 1024 : i32
        %mul3A_145 = arith.muli %reduce_min3A_112, %mul3A_144 : i32
        %add3A_146 = arith.addi %mul3A_145, %reduce_min3A_127 : i32
        %get3A_147 = arith.constant 0 : index
        %get3A_148 = arith.constant 0 : index
        %get3A_149 = vector.load %arg16[%get3A_147, %get3A_148] : memref<100x128xf32, #tpu.memory_space<vmem>>, vector<100x128xf32>
        %reduce_max3A_150 = vector.shape_cast %get3A_149 : vector<100x128xf32> to vector<1x100x128xf32>
        %reduce_max3A_151 = arith.constant dense<0xFF800000> : vector<1xf32>
        %reduce_max3A_152 = vector.multi_reduction <maximumf>, %reduce_max3A_150, %reduce_max3A_151 [1, 2] : vector<1x100x128xf32> to vector<1xf32>
        %reduce_max3A_153 = vector.shape_cast %reduce_max3A_152 : vector<1xf32> to vector<1x1x1xf32>
        %reduce_max3A_154 = vector.extract %reduce_max3A_153[0, 0, 0] : f32 from vector<1x1x1xf32>
        %eq3A_155 = vector.broadcast %reduce_max3A_154 : f32 to vector<100x128xf32>
        %eq3A_156 = arith.cmpf oeq, %get3A_149, %eq3A_155 : vector<100x128xf32>
        %jit3A_157 = arith.constant 2147483647 : i32
        %broadcast_in_dim3A_158 = vector.broadcast %jit3A_157 : i32 to vector<100x128xi32>
        %select_n3A_159 = arith.select %eq3A_156, %iota3A_62, %broadcast_in_dim3A_158 : vector<100x128xi1>, vector<100x128xi32>
        %reduce_min3A_160 = vector.shape_cast %select_n3A_159 : vector<100x128xi32> to vector<1x100x128xi32>
        %reduce_min3A_161 = arith.constant dense<2147483647> : vector<1xi32>
        %reduce_min3A_162 = vector.multi_reduction <minsi>, %reduce_min3A_160, %reduce_min3A_161 [1, 2] : vector<1x100x128xi32> to vector<1xi32>
        %reduce_min3A_163 = vector.shape_cast %reduce_min3A_162 : vector<1xi32> to vector<1x1x1xi32>
        %reduce_min3A_164 = vector.extract %reduce_min3A_163[0, 0, 0] : i32 from vector<1x1x1xi32>
        %mul3A_165 = arith.constant 8 : i32
        %mul3A_166 = arith.muli %reduce_min3A_164, %mul3A_165 : i32
        %get3A_167 = arith.index_cast %mul3A_166 : i32 to index
        %get3A_168 = arith.constant 0 : index
        %get3A_169 = vector.load %arg14[%get3A_167, %get3A_168] : memref<800x128xf32, #tpu.memory_space<vmem>>, vector<8x128xf32>
        %eq3A_170 = vector.broadcast %reduce_max3A_154 : f32 to vector<8x128xf32>
        %eq3A_171 = arith.cmpf oeq, %get3A_169, %eq3A_170 : vector<8x128xf32>
        %jit3A_172 = arith.constant 2147483647 : i32
        %broadcast_in_dim3A_173 = vector.broadcast %jit3A_172 : i32 to vector<8x128xi32>
        %select_n3A_174 = arith.select %eq3A_171, %add3A_68, %broadcast_in_dim3A_173 : vector<8x128xi1>, vector<8x128xi32>
        %reduce_min3A_175 = vector.shape_cast %select_n3A_174 : vector<8x128xi32> to vector<1x8x128xi32>
        %reduce_min3A_176 = arith.constant dense<2147483647> : vector<1xi32>
        %reduce_min3A_177 = vector.multi_reduction <minsi>, %reduce_min3A_175, %reduce_min3A_176 [1, 2] : vector<1x8x128xi32> to vector<1xi32>
        %reduce_min3A_178 = vector.shape_cast %reduce_min3A_177 : vector<1xi32> to vector<1x1x1xi32>
        %reduce_min3A_179 = vector.extract %reduce_min3A_178[0, 0, 0] : i32 from vector<1x1x1xi32>
        %eq3A_180 = vector.broadcast %reduce_min3A_179 : i32 to vector<8x128xi32>
        %eq3A_181 = arith.cmpi eq, %add3A_68, %eq3A_180 : vector<8x128xi32>
        %jit3A_182 = arith.constant 0xFF800000 : f32
        %broadcast_in_dim3A_183 = vector.broadcast %jit3A_182 : f32 to vector<8x128xf32>
        %select_n3A_184 = arith.select %eq3A_181, %broadcast_in_dim3A_183, %get3A_169 : vector<8x128xi1>, vector<8x128xf32>
        %mul3A_185 = arith.constant 8 : i32
        %mul3A_186 = arith.muli %reduce_min3A_164, %mul3A_185 : i32
        %swap3A_187 = arith.index_cast %mul3A_186 : i32 to index
        %swap3A_188 = arith.constant 0 : index
        %swap3A_189 = vector.load %arg14[%swap3A_187, %swap3A_188] : memref<800x128xf32, #tpu.memory_space<vmem>>, vector<8x128xf32>
        tpu.vector_store %arg14[%swap3A_187, %swap3A_188], %select_n3A_184 {strides = array<i32>} : memref<800x128xf32, #tpu.memory_space<vmem>>, vector<8x128xf32>,
        %reduce_max3A_190 = arith.constant dense<0xFF800000> : vector<128xf32>
        %reduce_max3A_191 = vector.multi_reduction <maximumf>, %select_n3A_184, %reduce_max3A_190 [0] : vector<8x128xf32> to vector<128xf32>
        %broadcast_in_dim3A_192 = vector.shape_cast %reduce_max3A_191 : vector<128xf32> to vector<1x128xf32>
        %swap3A_193 = arith.index_cast %reduce_min3A_164 : i32 to index
        %swap3A_194 = arith.constant 0 : index
        %swap3A_195 = vector.load %arg16[%swap3A_193, %swap3A_194] : memref<100x128xf32, #tpu.memory_space<vmem>>, vector<1x128xf32>
        tpu.vector_store %arg16[%swap3A_193, %swap3A_194], %broadcast_in_dim3A_192 {strides = array<i32>} : memref<100x128xf32, #tpu.memory_space<vmem>>, vector<1x128xf32>,
        %mul3A_196 = arith.constant 1024 : i32
        %mul3A_197 = arith.muli %reduce_min3A_164, %mul3A_196 : i32
        %add3A_198 = arith.addi %mul3A_197, %reduce_min3A_179 : i32
        %eq3A_199 = vector.broadcast %scan3A_91 : i32 to vector<1x32xi32>
        %eq3A_200 = arith.cmpi eq, %iota3A_69, %eq3A_199 : vector<1x32xi32>
        %broadcast_in_dim3A_201 = vector.broadcast %reduce_max3A_103 : f32 to vector<1x32xf32>
        %select_n3A_202 = arith.select %eq3A_200, %broadcast_in_dim3A_201, %scan3A_92 : vector<1x32xi1>, vector<1x32xf32>
        %broadcast_in_dim3A_203 = vector.broadcast %add3A_146 : i32 to vector<1x32xi32>
        %select_n3A_204 = arith.select %eq3A_200, %broadcast_in_dim3A_203, %scan3A_93 : vector<1x32xi1>, vector<1x32xi32>
        %broadcast_in_dim3A_205 = vector.broadcast %reduce_max3A_154 : f32 to vector<1x32xf32>
        %select_n3A_206 = arith.select %eq3A_200, %broadcast_in_dim3A_205, %scan3A_94 : vector<1x32xi1>, vector<1x32xf32>
        %broadcast_in_dim3A_207 = vector.broadcast %add3A_198 : i32 to vector<1x32xi32>
        %select_n3A_208 = arith.select %eq3A_200, %broadcast_in_dim3A_207, %scan3A_95 : vector<1x32xi1>, vector<1x32xi32>
        scf.yield %select_n3A_202, %select_n3A_204, %select_n3A_206, %select_n3A_208 : vector<1x32xf32>, vector<1x32xi32>, vector<1x32xf32>, vector<1x32xi32>
      }
      %scan3A_78 = arith.constant 32 : i32
      %swap3A_79 = arith.constant 0 : index
      %swap3A_80 = arith.constant 0 : index
      %swap3A_81 = vector.load %arg7[%swap3A_79, %swap3A_80] : memref<1x32xf32, #tpu.memory_space<vmem>>, vector<1x32xf32>
      tpu.vector_store %arg7[%swap3A_79, %swap3A_80], %scan3A_77#0 {strides = array<i32>} : memref<1x32xf32, #tpu.memory_space<vmem>>, vector<1x32xf32>,
      %swap3A_82 = arith.constant 0 : index
      %swap3A_83 = arith.constant 0 : index
      %swap3A_84 = vector.load %arg8[%swap3A_82, %swap3A_83] : memref<1x32xi32, #tpu.memory_space<vmem>>, vector<1x32xi32>
      tpu.vector_store %arg8[%swap3A_82, %swap3A_83], %scan3A_77#1 {strides = array<i32>} : memref<1x32xi32, #tpu.memory_space<vmem>>, vector<1x32xi32>,
      %swap3A_85 = arith.constant 0 : index
      %swap3A_86 = arith.constant 0 : index
      %swap3A_87 = vector.load %arg9[%swap3A_85, %swap3A_86] : memref<1x32xf32, #tpu.memory_space<vmem>>, vector<1x32xf32>
      tpu.vector_store %arg9[%swap3A_85, %swap3A_86], %scan3A_77#2 {strides = array<i32>} : memref<1x32xf32, #tpu.memory_space<vmem>>, vector<1x32xf32>,
      %swap3A_88 = arith.constant 0 : index
      %swap3A_89 = arith.constant 0 : index
      %swap3A_90 = vector.load %arg10[%swap3A_88, %swap3A_89] : memref<1x32xi32, #tpu.memory_space<vmem>>, vector<1x32xi32>
      tpu.vector_store %arg10[%swap3A_88, %swap3A_89], %scan3A_77#3 {strides = array<i32>} : memref<1x32xi32, #tpu.memory_space<vmem>>, vector<1x32xi32>,
    } else {
    }
    return
  }
  func.func @transform_0(%arg0: i32) -> (i32, i32) {
    %c0_i32 = arith.constant 0 : i32
    %c0_i32_0 = arith.constant 0 : i32
    %c0_i32_1 = arith.constant 0 : i32
    return %c0_i32, %c0_i32_0 : i32, i32
  }
  func.func @transform_1(%arg0: i32) -> (i32, i32) {
    %c0_i32 = arith.constant 0 : i32
    %c0_i32_0 = arith.constant 0 : i32
    %c0_i32_1 = arith.constant 0 : i32
    return %c0_i32, %c0_i32_0 : i32, i32
  }
  func.func @transform_2(%arg0: i32) -> (i32, i32) {
    %c0_i32 = arith.constant 0 : i32
    %c0_i32_0 = arith.constant 0 : i32
    %c0_i32_1 = arith.constant 0 : i32
    return %c0_i32, %c0_i32_0 : i32, i32
  }
  func.func @transform_3(%arg0: i32) -> (i32, i32) {
    %c0_i32 = arith.constant 0 : i32
    %c0_i32_0 = arith.constant 0 : i32
    return %arg0, %c0_i32 : i32, i32
  }
  func.func @transform_4(%arg0: i32) -> (i32, i32) {
    %c0_i32 = arith.constant 0 : i32
    %c0_i32_0 = arith.constant 0 : i32
    return %arg0, %c0_i32 : i32, i32
  }
  func.func @transform_5(%arg0: i32) -> (i32, i32) {
    %min3A = arith.constant 0 : i32
    %min3A_0 = arith.minsi %arg0, %min3A : i32
    %c0_i32 = arith.constant 0 : i32
    %c0_i32_1 = arith.constant 0 : i32
    return %min3A_0, %c0_i32 : i32, i32
  }
  func.func @transform_6(%arg0: i32) -> (i32, i32) {
    %c0_i32 = arith.constant 0 : i32
    %c0_i32_0 = arith.constant 0 : i32
    %c0_i32_1 = arith.constant 0 : i32
    return %c0_i32, %c0_i32_0 : i32, i32
  }
  func.func @transform_7(%arg0: i32) -> (i32, i32) {
    %c0_i32 = arith.constant 0 : i32
    %c0_i32_0 = arith.constant 0 : i32
    %c0_i32_1 = arith.constant 0 : i32
    return %c0_i32, %c0_i32_0 : i32, i32
  }
  func.func @transform_8(%arg0: i32) -> (i32, i32) {
    %c0_i32 = arith.constant 0 : i32
    %c0_i32_0 = arith.constant 0 : i32
    %c0_i32_1 = arith.constant 0 : i32
    return %c0_i32, %c0_i32_0 : i32, i32
  }
  func.func @transform_9(%arg0: i32) -> (i32, i32) {
    %c0_i32 = arith.constant 0 : i32
    %c0_i32_0 = arith.constant 0 : i32
    %c0_i32_1 = arith.constant 0 : i32
    return %c0_i32, %c0_i32_0 : i32, i32
  }
  func.func @transform_10(%arg0: i32) -> (i32, i32) {
    %min3A = arith.constant 0 : i32
    %min3A_0 = arith.minsi %arg0, %min3A : i32
    %c0_i32 = arith.constant 0 : i32
    %c0_i32_1 = arith.constant 0 : i32
    return %min3A_0, %c0_i32 : i32, i32
  }
}

</mosaic_0001>

<sc_bundles>
// kernel: _run.4.cloned.1.call-start
scs
__scs_entry_jumppad:
0x0: {  	(pc) =	sbr.rel $0x88, $3  }
0x1: {  	(tag) =	ssettag $0x0;
	lr =	simm.s32 $0x1  }
0x2: {  	[smem:$0x3F9B] =	sst lr;
	_ =	strace $0xD0000000  }
0x3: {  	_ = 	snop  }
0x4: {  	_ = 	snop  }
0x5: {  	_ = 	snop  }
0x6: {  	_ = 	snop  }
0x7: {  	_ = 	snop  }
__scs_overlays_trampoline_lowered:
0x8: {  	[smem:$0x3FAA] =	sst s0  }
0x9: {  	[smem:$0x3FAB] =	sst s1  }
0xa: {  	[smem:$0x3FAC] =	sst s2  }
0xb: {  	[smem:$0x3FAD] =	sst s3  }
0xc: {  	[smem:$0x3FAE] =	sst s4  }
0xd: {  	[smem:$0x3FAF] =	sst s5  }
0xe: {  	[smem:$0x3FB0] =	sst s6  }
0xf: {  	[smem:$0x3FB1] =	sst s7  }
0x10: {  	[smem:$0x3FB2] =	sst s8  }
0x11: {  	[smem:$0x3FB3] =	sst s9;
	s0 =	simm.s32 @!p0 $0x0  }
0x12: {  	s1 =	sld [smem:$0x3F99];
	s0 =	simm.s32 @p0 $0x1  }
0x13: {  	[smem:$0x3FB4] =	sst s0;
	s0 =	simm.s32 @!p1 $0x0  }
0x14: {  	s2 =	sld [smem:$0x3F98];
	s0 =	simm.s32 @p1 $0x1  }
0x15: {  	[smem:$0x3FB5] =	sst s0;
	s0 =	simm.s32 @!p2 $0x0  }
0x16: {  	s3 =	sld [smem:$0x3FDB];
	s0 =	simm.s32 @p2 $0x1  }
0x17: {  	s4 =	simm.s32 $0x1BF5;
	[smem:$0x3FB7] =	sst s0  }
0x18: {  	s0 =	sld [smem:$0x3F9A];
	_ =	swait.ge [sflag:s4], $0x0  }
0x19: {  	s7 =	sld [smem:$0x3F9B]  }
0x1a: {  	s8 =	sadd.s32 $0xFFFFE003, lr  }
0x1b: {  	s9 =	sadd.s32 $0xFFFFFEF7, lr;
	s5 =	simm.s32 $0xFFFFFFFF;
	p2 =	slt.u32 s8, $0xFFFFF086  }
0x1c: {  	p1 =	slt.u32 s9, $0xF7A;
	s5 =	simm.s32 @!p2 $0x0  }
0x1d: {  	s5 =	simm.s32 @p1 $0x1;
	p0 =	seq.s32 s7, s2  }
0x1e: {  	s7 =	smul.u32 @!p0 $0xF7A, s2;
	p2 =	seq.s32 @!p0 s5, $0x0  }
0x1f: {  	s9 =	smul.u32 $0xF7A, s1;
	s8 =	simm.s32 @!p0 $0x1BF5;
	p2 =	por !p2, p0  }
0x20: {  	[sflag:s8] =	ssyncset.s32 @!p0 $0xFFFFF086;
	s6 =	sadd.s32 @!p0 s3, s7;
	s7 =	simm.s32 @!p0 $0x108  }
0x21: {  	s3 =	sadd.s32 s3, s9;
	s6 =	sadd.s32 @!p0 $0x88, s6;
	s7 =	simm.s32 @p2 $0x1082  }
0x22: {  	[simem:s7], [sflag:s8] =	dma.local @!p0 [hbm:s6], $0xF7A  }
0x23: {  	s9 =	sor.u32 $0xD0000000, s2;
	s6 =	simm.s32 $0x108;
	_ =	swait.ge @!p0 [sflag:s8], $0x0  }
0x24: {  	s3 =	sadd.s32 $0x88, s3;
	s6 =	simm.s32 @!p1 $0x1082;
	[sflag:s4] =	ssyncset.s32 $0xFFFFF086  }
0x25: {  	[simem:s6], [sflag:s4] =	dma.local [hbm:s3], $0xF7A  }
0x26: {  	[smem:$0x3F9B] =	sst s1;
	(tag) =	ssettag s2;
	_ =	strace s9  }
0x27: {  	s1 =	sld [smem:$0x3FAB]  }
0x28: {  	s2 =	sld [smem:$0x3FAC]  }
0x29: {  	s4 =	sld [smem:$0x3FAE]  }
0x2a: {  	p0 =	seq.s32 s5, $0x0;
	s5 =	sld [smem:$0x3FAF]  }
0x2b: {  	s6 =	sld [smem:$0x3FB0]  }
0x2c: {  	s7 =	sld [smem:$0x3FB1]  }
0x2d: {  	s3 =	simm.s32 $0x108;
	s8 =	sld [smem:$0x3FB2]  }
0x2e: {  	s3 =	simm.s32 @!p0 $0x1082;
	s9 =	sld [smem:$0x3FB3]  }
0x2f: {  	lr =	sadd.s32 s0, s3;
	s0 =	sld [smem:$0x3FAA]  }
0x30: {  	s3 =	sld [smem:$0x3FAD]  }
0x31: {  	[smem:$0x3FB6] =	sst s10  }
0x32: {  	s10 =	sld [smem:$0x3FB4];
	_ =	sdelay $0x3  }
0x33: {  	p0 =	seq.s32 s10, $0x1;
	s10 =	sld [smem:$0x3FB6];
	_ =	sdelay $0x3  }
0x34: {  	[smem:$0x3FB6] =	sst s10  }
0x35: {  	s10 =	sld [smem:$0x3FB5];
	_ =	sdelay $0x3  }
0x36: {  	p1 =	seq.s32 s10, $0x1;
	s10 =	sld [smem:$0x3FB6];
	_ =	sdelay $0x3  }
0x37: {  	[smem:$0x3FB6] =	sst s10  }
0x38: {  	s10 =	sld [smem:$0x3FB7]  }
0x39: {  	_ = 	snop;
	(pc) =	sbr.ind lr, $3  }
0x3a: {  	_ = 	snop  }
0x3b: {  	_ = 	snop  }
0x3c: {  	p2 =	seq.s32 s10, $0x1;
	s10 =	sld [smem:$0x3FB6]  }
0x3d: {  	_ =	shalt  }
0x3e: {  	_ =	shalt  }
0x3f: {  	_ =	shalt  }
0x40: {  	_ =	shalt  }
0x41: {  	_ =	shalt  }
0x42: {  	_ =	shalt  }
0x43: {  	_ =	shalt  }
0x44: {  	_ =	shalt  }
0x45: {  	_ =	shalt  }
0x46: {  	_ =	shalt  }
0x47: {  	_ =	shalt  }
0x48: {  	_ =	shalt  }
0x49: {  	_ =	shalt  }
0x4a: {  	_ =	shalt  }
0x4b: {  	_ =	shalt  }
0x4c: {  	_ =	shalt  }
0x4d: {  	_ =	shalt  }
0x4e: {  	_ =	shalt  }
0x4f: {  	_ =	shalt  }
0x50: {  	_ =	shalt  }
0x51: {  	_ =	shalt  }
0x52: {  	_ =	shalt  }
0x53: {  	_ =	shalt  }
0x54: {  	_ =	shalt  }
0x55: {  	_ =	shalt  }
0x56: {  	_ =	shalt  }
0x57: {  	_ =	shalt  }
0x58: {  	_ =	shalt  }
0x59: {  	_ =	shalt  }
0x5a: {  	_ =	shalt  }
0x5b: {  	_ =	shalt  }
0x5c: {  	_ =	shalt  }
0x5d: {  	_ =	shalt  }
0x5e: {  	_ =	shalt  }
0x5f: {  	_ =	shalt  }
0x60: {  	_ =	shalt  }
0x61: {  	_ =	shalt  }
0x62: {  	_ =	shalt  }
0x63: {  	_ =	shalt  }
0x64: {  	_ =	shalt  }
0x65: {  	_ =	shalt  }
0x66: {  	_ =	shalt  }
0x67: {  	_ =	shalt  }
0x68: {  	_ =	shalt  }
0x69: {  	_ =	shalt  }
0x6a: {  	_ =	shalt  }
0x6b: {  	_ =	shalt  }
0x6c: {  	_ =	shalt  }
0x6d: {  	_ =	shalt  }
0x6e: {  	_ =	shalt  }
0x6f: {  	_ =	shalt  }
0x70: {  	_ =	shalt  }
0x71: {  	_ =	shalt  }
0x72: {  	_ =	shalt  }
0x73: {  	_ =	shalt  }
0x74: {  	_ =	shalt  }
0x75: {  	_ =	shalt  }
0x76: {  	_ =	shalt  }
0x77: {  	_ =	shalt  }
0x78: {  	_ =	shalt  }
0x79: {  	_ =	shalt  }
0x7a: {  	_ =	shalt  }
0x7b: {  	_ =	shalt  }
0x7c: {  	_ =	shalt  }
0x7d: {  	_ =	shalt  }
0x7e: {  	_ =	shalt  }
0x7f: {  	_ =	shalt  }
0x80: {  	_ =	shalt  }
0x81: {  	_ =	shalt  }
0x82: {  	_ =	shalt  }
0x83: {  	_ =	shalt  }
0x84: {  	_ =	shalt  }
0x85: {  	_ =	shalt  }
0x86: {  	_ =	shalt  }
0x87: {  	_ =	shalt  }
.Lfunc_end0:
.L_simem_size_0:
called_computation_lowered:
.L_overlay_start_0:
0x88: {  	s2 =	sld [smem:$0x3FD9]  }
0x89: {  	s3 =	sld [smem:$0x3FFE];
	_ =	sdelay $0x1  }
0x8a: {  	s1 =	srdreg.scid  }
0x8b: {  	s0 =	sand.u32 $0x1, s1  }
0x8c: {  	s15 =	sshll.u32 s0, $0xA;
	s2 =	sadd.s32 s3, s2  }
0x8d: {  	s2 =	sadd.s32 s2, s15  }
0x8e: {  	[smem:$0x3FC2] =	sst s2  }
0x8f: {  	_ = 	snop  }
0x90: {  	s2 =	sld [smem:$0x3FD0];
	_ =	sdelay $0x1  }
0x91: {  	s16 =	sld [smem:$0x3FC8]  }
0x92: {  	s5 =	simm.s32 $0xA;
	s6 =	simm.s32 $0x10;
	s4 =	sld [smem:$0x3FC6]  }
0x93: {  	[smem:s6], [sflag:s5] =	dma.local [hbm:s2], $0x1  }
0x94: {  	_ =	swait.eq [sflag:s5], $0x1  }
0x95: {  	[sflag:s5] =	ssyncset.done $0x0  }
0x96: {  	s17 =	sld [smem:$0x10];
	[sflag:s5] =	ssyncadd.s32 $0xFFFFFFFF  }
0x97: {  	s18 =	sld [smem:$0x11];
	(tm) =	ssettm $0x1  }
0x98: {  	s19 =	sld [smem:$0x3FFB];
	_ =	sdelay $0x3  }
0x99: {  	_ =	strace s19  }
0x9a: {  	s6 =	sld [smem:$0x3FFC];
	_ =	sdelay $0x3  }
0x9b: {  	_ =	strace s6  }
0x9c: {  	s6 =	sld [smem:$0x3FFD];
	_ =	sdelay $0x3  }
0x9d: {  	_ =	strace s6  }
0x9e: {  	_ =	strace $0x8FFFFFFF  }
0x9f: {  	s20 =	sld [smem:$0x3FDB];
	_ =	sdelay $0x1  }
0xa0: {  	s7 =	simm.s32 $_scs_section_size  }
0xa1: {  	s8 =	simm.s32 $_size__tile_overlayer_lowered;
	s9 =	simm.s32 $_tile_overlayer_lowered  }
0xa2: {  	s23 =	simm.s32 $0x1BFF;
	s22 =	sshll.u32 s9, $0x1;
	s6 =	sadd.s32 s7, s20  }
0xa3: {  	s10 =	simm.s32 $0x0;
	s21 =	sshll.u32 s8, $0x1;
	s8 =	sadd.s32 s22, s6  }
0xa4: {  	[timem:s10], [sflag:s23] =	dma.local [hbm:s8], s21  }
0xa5: {  	_ =	swait.ge [sflag:s23], s21  }
0xa6: {  	s7 =	ssub.s32 $0x0, s21;
	[sflag:s23] =	ssyncset.done $0x0  }
0xa7: {  	[sflag:s23] =	ssyncadd.s32 s7;
	_ =	sdelay $0x1  }
0xa8: {  	s24 =	simm.s32 $0x1B8B  }
0xa9: {  	_ =	swait.ge [sflag:s24], $0x1  }
0xaa: {  	[sflag:s24] =	ssyncset.done $0x0  }
0xab: {  	s25 =	simm.s32 $0x1B8E;
	[sflag:s24] =	ssyncadd.s32 $0xFFFFFFFF  }
0xac: {  	s26 =	simm.s32 $execute0_lowered;
	[smem:$0x3FD2] =	sst s25  }
0xad: {  	s7 =	sshll.u32 s26, $0x1;
	_ =	strace $0x80000046;
	[dreg:$0x1] =	wrdreg $0xFFFFFFFF  }
0xae: {  	s28 =	simm.s32 $_size_execute0_lowered;
	s6 =	sadd.s32 s6, s7;
	[dreg:$0x0] =	wrdreg $0x0  }
0xaf: {  	s7 =	sshll.u32 s28, $0x1;
	[dreg:$0x2] =	wrdreg s6  }
0xb0: {  	[dreg:$0x3] =	wrdreg s7  }
0xb1: {  	[dreg:$0x4] =	wrdreg $0xC0  }
0xb2: {  	_ =	task [dreg:s10], $0x5FFFF  }
0xb3: {  	[dreg:$0x1] =	wrdreg $0xFFFFFFFF  }
0xb4: {  	[dreg:$0x0] =	wrdreg $0x60  }
0xb5: {  	[dreg:$0x2] =	wrdreg s17  }
0xb6: {  	[dreg:$0x3] =	wrdreg s16  }
0xb7: {  	[dreg:$0x4] =	wrdreg s4  }
0xb8: {  	[dreg:$0x5] =	wrdreg s18  }
0xb9: {  	[dreg:$0x6] =	wrdreg $0x9  }
0xba: {  	_ =	task.clear_ibuf [dreg:s10], $0x7FFFF;
	_ =	strace $0x90000046  }
0xbb: {  	s29 =	simm.s32 $0x9;
	_ =	strace $0x80000048  }
0xbc: {  	_ =	swait.ge [sflag:s29], $0x1  }
0xbd: {  	[sflag:s29] =	ssyncadd.s32 $0xFFFFFFFF  }
0xbe: {  	_ =	strace $0x90000048  }
0xbf: {  	_ =	sfence  }
0xc0: {  	s30 =	sld [smem:$0x0];
	_ =	sdelay $0x2  }
0xc1: {  	s31 =	sshll.u32 s1, $0xD;
	s1 =	sshrl.u32 s1, $0x2  }
0xc2: {  	s3 =	sand.u32 $0x4000, s31;
	s1 =	sadd.s32 s1, s30  }
0xc3: {  	s0 =	sor.u32 s3, s0;
	s1 =	sshll.u32 s1, $0x11  }
0xc4: {  	s0 =	sor.u32 s1, s0  }
0xc5: {  	s0 =	sadd.s32 $0x8F2B, s0  }
0xc6: {  	[sflag:s0] =	ssyncadd.remote.s32 $0x1  }
0xc7: {  	_ =	sfence.sel $0xFFFF  }
0xc8: {  	[dreg:$0x0] =	wrdreg $0xFFFFFFFF;
	(pc) =	sbr.abs _section_cstart, $3  }
0xc9: {  	[dreg:$0x1] =	wrdreg $0xFFFFFFFF  }
0xca: {  	_ =	task.clear_ibuf [dreg:s10], $0x2FFFF;
	_ =	strace $0x9FFFFFFF  }
0xcb: {  	(tm) =	ssettm $0x7FFFFFFF  }
tec
execute0_lowered:
.L_overlay_start_1:
0x0: {  	(tag) =	ssettag $0x1  }
0x1: {  	s1 =	stileid.u32  }
0x2: {  	s4 =	rddreg [dreg:$0x0];
	p0 =	sgt.u32 s1, $0x1  }
.Ltmp0:
0x3: {  	s6 =	rddreg [dreg:$0x1];
	(pc) =	sbr.rel @p0 .LBB2_4-.Ltmp0, $4  }
0x4: {  	s2 =	rddreg [dreg:$0x2]  }
0x5: {  	s9 =	rddreg [dreg:$0x3];
	s3 =	simm.s32 $0x0  }
0x6: {  	[smem:$0x7FF] =	sst s3  }
0x7: {  	s0 =	rddreg [dreg:$0x4];
	_ =	strace $0x80000047  }
0x8: {  	s5 =	srdreg.scid  }
0x9: {  	s30 =	sshll.u32 s1, $0x1;
	s7 =	sand.u32 $0x1, s5  }
0xa: {  	s10 =	sor.u32 s7, s30  }
0xb: {  	p0 =	seq.s32 s1, $0x0;
	s8 =	simm.s32 $0x1;
	s5 =	sshll.u32 s10, $0x1  }
0xc: {  	s11 =	ssub.s32 $0x2, s7;
	s5 =	sadd.s32 s4, s5;
	s4 =	simm.s32 $0x2  }
0xd: {  	[tilespmem:s3], [sflag:$0x2] =	stream.linear.gather [hbm4b:s5+s3], $0x10, $0x38;
	[tilespmem:$0x880] =	vst v63  }
0xe: {  	s2 =	smov.u32 @p0 s6;
	s12 =	sshrl.u32 s11, $0x1;
	_ =	swait.ge [sflag:s4], $0x10  }
0xf: {  	s6 =	simm.s32 $0x10;
	s11 =	ssub.s32 s11, s12;
	[sflag:s4] =	ssyncset.done $0x0  }
0x10: {  	s7 =	simm.s32 $0x80;
	s31 =	smax.u32 s11, $0x1;
	[sflag:s4] =	ssyncadd.s32 $0xFFFFFFF0  }
0x11: {  	[tilespmem:s7], [sflag:$0x1] =	stream.indirect.gather [hbm4b:s2+s6], $0x80, s3, s6, $0xb8;
	[tilespmem:$0x880] =	vst v63  }
0x12: {  	p0 =	sne.s32 s31, $0x1;
	_ =	swait.ge [sflag:s8], $0x800  }
.Ltmp1:
0x13: {  	s10 =	sshll.u32 s10, $0x8;
	[sflag:s8] =	ssyncset.done $0x0;
	(pc) =	sbr.rel @!p0 .LBB2_3-.Ltmp1, $4  }
0x14: {  	s9 =	sadd.s32 s9, s10;
	[sflag:s8] =	ssyncadd.s32 $0xFFFFF800  }
0x15: {  	[hbm4b:s9+s3] =	stream.linear.scatter [tilespmem:s7], [sflag:$0x2], $0x800, $0x38;
	[tilespmem:$0x880] =	vst v63  }
0x16: {  	_ =	swait.ge [sflag:s4], $0x800  }
0x17: {  	s10 =	sadd.s32 $0xFFFFFFFF, s31;
	[sflag:s4] =	ssyncset.done $0x0  }
.LBB2_2:
0x18: {  	p0 =	sne.s32 s10, $0x1;
	s10 =	sadd.s32 $0xFFFFFFFF, s10;
	[sflag:s4] =	ssyncadd.s32 $0xFFFFF800  }
0x19: {  	[tilespmem:s3], [sflag:$0x2] =	stream.linear.gather [hbm4b:s5+s3], $0x10, $0x38;
	[tilespmem:$0x880] =	vst v63  }
0x1a: {  	_ =	swait.ge [sflag:s4], $0x10  }
0x1b: {  	[sflag:s4] =	ssyncset.done $0x0  }
0x1c: {  	[sflag:s4] =	ssyncadd.s32 $0xFFFFFFF0  }
0x1d: {  	[tilespmem:s7], [sflag:$0x1] =	stream.indirect.gather [hbm4b:s2+s6], $0x80, s3, s6, $0xb8;
	[tilespmem:$0x880] =	vst v63  }
0x1e: {  	_ =	swait.ge [sflag:s8], $0x800  }
.Ltmp2:
0x1f: {  	[sflag:s8] =	ssyncset.done $0x0;
	(pc) =	sbr.rel @p0 .LBB2_2-.Ltmp2, $4  }
0x20: {  	[sflag:s8] =	ssyncadd.s32 $0xFFFFF800  }
0x21: {  	[hbm4b:s9+s3] =	stream.linear.scatter [tilespmem:s7], [sflag:$0x2], $0x800, $0x38;
	[tilespmem:$0x880] =	vst v63  }
0x22: {  	_ =	swait.ge [sflag:s4], $0x800  }
0x23: {  	[sflag:s4] =	ssyncset.done $0x0  }
.LBB2_3:
0x24: {  	[sflag:s4] =	ssyncadd.s32 $0xFFFFF800  }
.LBB2_4:
0x25: {  	_ =	sfence.sel $0x180000  }
0x26: {  	[bflag:$0x0] =	sbarrier.arrive $0xFFFF  }
0x27: {  	p0 =	sne.s32 s1, $0x0;
	_ =	strace $0x90000047  }
0x28: {  	s0 =	sadd.s32 @!p0 $0x100000, s0;
	[bflag:$0x2] =	sbarrier.arrive $0xFFFF  }
0x29: {  	[sflag:s0] =	ssyncadd.tile.s32 @!p0 $0x1;
	_ =	shalt  }
.Lfunc_end2:
_tile_overlayer_lowered:
.L_overlay_start_2:
0x2a: {  	(tag) =	ssettag $0x2  }
0x2b: {  	s0 =	rddreg [dreg:$0x0];
	s2 =	stileid.u32  }
0x2c: {  	s1 =	rddreg [dreg:$0x1];
	p0 =	sne.s32 s2, $0x0  }
0x2d: {  	s3 =	rddreg [dreg:$0x2];
	[bflag:$0x3] =	sbarrier.arrive $0xFFFF;
	s2 =	simm.s32 @!p0 $0x1C02  }
0x2e: {  	[timem:s3], [sflag:s2] =	dma.local @!p0 [hbm:s0], s1  }
0x2f: {  	s0 =	simm.s32 @!p0 $0x2  }
0x30: {  	_ =	swait.ge @!p0 [sflag:s0], s1  }
0x31: {  	s1 =	ssub.s32 @!p0 $0x0, s1;
	[sflag:s0] =	ssyncset.done @!p0 $0x0  }
0x32: {  	[sflag:s0] =	ssyncadd.s32 @!p0 s1  }
0x33: {  	[bflag:$0x3] =	sbarrier.arrive $0xFFFF  }
0x34: {  	_ =	shalt  }

</sc_bundles>
